<compile_context>
chip_gen: v7x
topology: tpu7x:2x2x1
jax: 0.10.2.dev20260603
libtpu: 0.0.44.dev20260713+nightly
codegen_flags: <defaults>
</compile_context>

<pallas_src>
import jax
import jax.numpy as jnp
from jax import lax
from jax.experimental import pallas as pl
from jax.experimental.pallas import tpu as pltpu
from jax.experimental.pallas import tpu_sc as plsc

K = 1024
D = 64
BETA = 0.25
B = 16
T = 1024
N = B * T

NUM_WORKERS = 32
ROWS_PER_WORKER = N // NUM_WORKERS
CHUNK = 64


BSTEP = 2


def _argmin_body(x_ref, w_ref, idx_ref):
    b = pl.program_id(0)
    w = w_ref[...]
    bsq = jnp.sum(w * w, axis=1, keepdims=True)
    w2 = w + w
    iota_k = lax.broadcasted_iota(jnp.int32, (K, T), 0)
    for p in range(BSTEP):
        x = x_ref[p]
        a = jnp.sum(x * x, axis=0, keepdims=True)
        m2 = lax.dot_general(w2, x, (((1,), (0,)), ((), ())),
                             preferred_element_type=jnp.float32)
        dist = (a + bsq) - m2
        minv = jnp.min(dist, axis=0, keepdims=True)
        idx = jnp.min(jnp.where(dist <= minv, iota_k, K), axis=0,
                      keepdims=True)
        idx_ref[b * BSTEP + p] = idx


def _argmin_call(inputs, w):
    return pl.pallas_call(
        _argmin_body,
        grid=(B // BSTEP,),
        in_specs=[
            pl.BlockSpec((BSTEP, D, T), lambda b: (b, 0, 0)),
            pl.BlockSpec((K, D), lambda b: (0, 0)),
        ],
        out_specs=pl.BlockSpec((B, 1, T), lambda b: (0, 0, 0)),
        out_shape=jax.ShapeDtypeStruct((B, 1, T), jnp.int32),
        compiler_params=pltpu.CompilerParams(
            dimension_semantics=("arbitrary",)),
    )(inputs, w)


def _outputs_body(x_ref, w_ref, idx_ref, qst_ref, loss_ref, perp_ref,
                  lacc_ref, hist_ref):
    b = pl.program_id(0)

    @pl.when(b == 0)
    def _init():
        lacc_ref[0, 0] = 0.0
        hist_ref[...] = jnp.zeros_like(hist_ref)

    x = x_ref[0]
    w = w_ref[...]
    idx = idx_ref[b]

    iota_k = lax.broadcasted_iota(jnp.int32, (K, T), 0)
    enc_t = (iota_k == idx).astype(jnp.float32)
    hist_ref[...] += jnp.sum(enc_t, axis=1, keepdims=True)

    q = lax.dot_general(w, enc_t, (((0,), (0,)), ((), ())),
                        preferred_element_type=jnp.float32)
    diff = q - x
    qst_ref[0] = x + diff
    lacc_ref[0, 0] += jnp.sum(diff * diff)

    @pl.when(b == B - 1)
    def _fin():
        mean_sq = lacc_ref[0, 0] / (B * T * D)
        loss_ref[0, 0] = mean_sq + BETA * mean_sq
        avg = hist_ref[...] * (1.0 / N)
        ent = avg * jnp.log(avg + 1e-10)
        perp_ref[0, 0] = jnp.exp(-jnp.sum(ent))


def _outputs_call(inputs, w, idx):
    return pl.pallas_call(
        _outputs_body,
        grid=(B,),
        in_specs=[
            pl.BlockSpec((1, D, T), lambda b: (b, 0, 0)),
            pl.BlockSpec((K, D), lambda b: (0, 0)),
            pl.BlockSpec((B, 1, T), lambda b: (0, 0, 0)),
        ],
        out_specs=[
            pl.BlockSpec((1, D, T), lambda b: (b, 0, 0)),
            pl.BlockSpec(memory_space=pltpu.SMEM),
            pl.BlockSpec(memory_space=pltpu.SMEM),
        ],
        out_shape=[
            jax.ShapeDtypeStruct((B, D, T), jnp.float32),
            jax.ShapeDtypeStruct((1, 1), jnp.float32),
            jax.ShapeDtypeStruct((1, 1), jnp.float32),
        ],
        scratch_shapes=[
            pltpu.SMEM((1, 1), jnp.float32),
            pltpu.VMEM((K, 1), jnp.float32),
        ],
        compiler_params=pltpu.CompilerParams(
            dimension_semantics=("arbitrary",)),
    )(inputs, w, idx)


def _sc_scatter_body(idx_hbm, zeros_hbm, out_hbm, idx_v, rows_v):
    wid = lax.axis_index("s") * 2 + lax.axis_index("c")
    base = wid * ROWS_PER_WORKER

    pltpu.sync_copy(idx_hbm.at[pl.ds(base, ROWS_PER_WORKER)], idx_v)
    pltpu.sync_copy(zeros_hbm, rows_v)

    ones16 = jnp.full((16,), 1.0, jnp.float32)
    zero16 = jnp.zeros((16,), jnp.float32)
    lane = lax.iota(jnp.int32, 16)

    def chunk_body(ci, carry):
        for g in range(CHUNK // 16):
            cols = idx_v[pl.ds(ci * CHUNK + g * 16, 16)]
            rows = lane + g * 16
            plsc.store_scatter(rows_v, [rows, cols], ones16)
        pltpu.sync_copy(rows_v, out_hbm.at[pl.ds(base + ci * CHUNK, CHUNK)])
        for g in range(CHUNK // 16):
            cols = idx_v[pl.ds(ci * CHUNK + g * 16, 16)]
            rows = lane + g * 16
            plsc.store_scatter(rows_v, [rows, cols], zero16)
        return carry

    lax.fori_loop(0, ROWS_PER_WORKER // CHUNK, chunk_body, 0)


def _sc_scatter(idx_flat, zeros_chunk):
    mesh = plsc.VectorSubcoreMesh(core_axis_name="c", subcore_axis_name="s")
    f = pl.kernel(
        _sc_scatter_body,
        out_type=jax.ShapeDtypeStruct((N, K), jnp.float32),
        mesh=mesh,
        scratch_types=[
            pltpu.VMEM((ROWS_PER_WORKER,), jnp.int32),
            pltpu.VMEM((CHUNK, K), jnp.float32),
        ],
        compiler_params=pltpu.CompilerParams(needs_layout_passes=False),
    )
    return f(idx_flat, zeros_chunk)


@jax.jit
def kernel(inputs, W):
    idx = _argmin_call(inputs, W)

    zeros_chunk = jnp.zeros((CHUNK, K), jnp.float32)
    enc = _sc_scatter(idx.reshape(N), zeros_chunk)

    qst, loss, perp = _outputs_call(inputs, W, idx)

    return (loss.reshape(()), qst, perp.reshape(()), enc)

# --- scband reference (transcript-rebuilt; emitter-appended) ---
"""Pipeline reference for scband-vector-quantizer-74259984547867 (READ-ONLY COPY).

The authoritative reference and input builder live on the scoring server;
editing this copy changes nothing except your own understanding.
"""

import jax, jax.numpy as jnp
import numpy as np

K = 1024
D = 64
BETA = 0.25

def setup_inputs(seed: int = 0) -> dict:
    key = jax.random.key(seed)
    k1, k2 = jax.random.split(key)
    inputs = jax.random.normal(k1, (16, D, 1024), dtype=jnp.float32)
    W = jax.random.uniform(k2, (K, D), dtype=jnp.float32, minval=-1.0 / K, maxval=1.0 / K)
    return {"inputs": inputs, "W": W}

def reference(inputs, W):
    # permute(0, 2, 1): [B, D, T] -> [B, T, D]
    x = jnp.transpose(inputs, (0, 2, 1))
    input_shape = x.shape
    flat = x.reshape(-1, D)
    distances = (jnp.sum(flat ** 2, axis=1, keepdims=True)
                 + jnp.sum(W ** 2, axis=1)
                 - 2.0 * jnp.matmul(flat, W.T))
    encoding_indices = jnp.argmin(distances, axis=1)
    encodings = jax.nn.one_hot(encoding_indices, K, dtype=jnp.float32)
    quantized = jnp.matmul(encodings, W).reshape(input_shape)
    e_latent_loss = jnp.mean((jax.lax.stop_gradient(quantized) - x) ** 2)
    q_latent_loss = jnp.mean((quantized - jax.lax.stop_gradient(x)) ** 2)
    loss = q_latent_loss + BETA * e_latent_loss
    quantized_st = x + jax.lax.stop_gradient(quantized - x)
    avg_probs = jnp.mean(encodings, axis=0)
    perplexity = jnp.exp(-jnp.sum(avg_probs * jnp.log(avg_probs + 1e-10)))
    return (loss, jnp.transpose(quantized_st, (0, 2, 1)), perplexity, encodings)

if __name__ == "__main__":
    import jax
    _d = setup_inputs()
    print(jax.jit(kernel)(*tuple(_d.values())))

</pallas_src>

<mosaic_0001>
#map = affine_map<(d0, d1) -> (0)>
#map1 = affine_map<(d0, d1) -> (0, 0)>
module attributes {stable_mosaic.version = 14 : i64} {
  func.func @_sc_scatter_body(%arg0: i32, %arg1: i32, %arg2: memref<16384xi32, #tpu.memory_space<hbm>>, %arg3: memref<64x1024xf32, #tpu.memory_space<hbm>>, %arg4: memref<16384x1024xf32, #tpu.memory_space<hbm>>, %arg5: memref<512xi32, #tpu.memory_space<vmem>>, %arg6: memref<64x1024xf32, #tpu.memory_space<vmem>>) attributes {dimension_semantics = [#tpu.dimension_semantics<core_parallel>, #tpu.dimension_semantics<subcore_parallel>], iteration_bounds = array<i64: 2, 16>, scalar_prefetch = 0 : i64, scratch_operands = 2 : i64, tpu.core_type = #tpu.core_type<sc_vector_subcore>, window_params = [{transform_indices = #map}, {transform_indices = #map1}, {transform_indices = #map1}]} {
    %mul3A = arith.constant 2 : i32
    %mul3A_0 = arith.muli %arg1, %mul3A : i32
    %add3A = arith.addi %mul3A_0, %arg0 : i32
    %mul3A_1 = arith.constant 512 : i32
    %mul3A_2 = arith.muli %add3A, %mul3A_1 : i32
    "tpu.region"() ({
      %run_scoped3A = tpu.sem_alloc : memref<!tpu.dma_semaphore, #tpu.memory_space<semaphore_mem>>
      %dma_start3A = tpu.memref_slice %arg2[%mul3A_2] : memref<16384xi32, #tpu.memory_space<hbm>> -> memref<512xi32, #tpu.memory_space<hbm>>
      %dma_start3A_11 = tpu.memref_slice %arg2[%mul3A_2] : memref<16384xi32, #tpu.memory_space<hbm>> -> memref<512xi32, #tpu.memory_space<hbm>>
      tpu.enqueue_dma source(%dma_start3A_11 : memref<512xi32, #tpu.memory_space<hbm>>) target(%arg5 : memref<512xi32, #tpu.memory_space<vmem>>) target_semaphore(%run_scoped3A : memref<!tpu.dma_semaphore, #tpu.memory_space<semaphore_mem>>)
      %dma_wait3A = tpu.memref_slice %arg2[%mul3A_2] : memref<16384xi32, #tpu.memory_space<hbm>> -> memref<512xi32, #tpu.memory_space<hbm>>
      %dma_wait3A_12 = tpu.memref_slice %arg2[%mul3A_2] : memref<16384xi32, #tpu.memory_space<hbm>> -> memref<512xi32, #tpu.memory_space<hbm>>
      tpu.wait_dma2 semaphore(%run_scoped3A : memref<!tpu.dma_semaphore, #tpu.memory_space<semaphore_mem>>) src(%dma_wait3A_12 : memref<512xi32, #tpu.memory_space<hbm>>) dst(%arg5 : memref<512xi32, #tpu.memory_space<vmem>>)
      tpu.yield
    }) : () -> ()
    "tpu.region"() ({
      %run_scoped3A = tpu.sem_alloc : memref<!tpu.dma_semaphore, #tpu.memory_space<semaphore_mem>>
      tpu.enqueue_dma source(%arg3 : memref<64x1024xf32, #tpu.memory_space<hbm>>) target(%arg6 : memref<64x1024xf32, #tpu.memory_space<vmem>>) target_semaphore(%run_scoped3A : memref<!tpu.dma_semaphore, #tpu.memory_space<semaphore_mem>>)
      tpu.wait_dma2 semaphore(%run_scoped3A : memref<!tpu.dma_semaphore, #tpu.memory_space<semaphore_mem>>) src(%arg3 : memref<64x1024xf32, #tpu.memory_space<hbm>>) dst(%arg6 : memref<64x1024xf32, #tpu.memory_space<vmem>>)
      tpu.yield
    }) : () -> ()
    %broadcast_in_dim3A = arith.constant 1.000000e+00 : f32
    %broadcast_in_dim3A_3 = vector.broadcast %broadcast_in_dim3A : f32 to vector<16xf32>
    %broadcast_in_dim3A_4 = arith.constant 0.000000e+00 : f32
    %broadcast_in_dim3A_5 = vector.broadcast %broadcast_in_dim3A_4 : f32 to vector<16xf32>
    %iota3A = tpu.iota {dimensions = array<i32: 0>} : vector<16xi32>
    %scan3A = arith.constant 0 : i32
    %scan3A_6 = arith.constant 0 : i32
    %scan3A_7 = arith.constant 8 : i32
    %scan3A_8 = arith.addi %scan3A_6, %scan3A_7 : i32
    %scan3A_9 = arith.constant 1 : i32
    scf.for %scan3A_11 = %scan3A_6 to %scan3A_8 step %scan3A_9  : i32 {
      %mul3A_12 = arith.constant 64 : i32
      %mul3A_13 = arith.muli %scan3A_11, %mul3A_12 : i32
      %add3A_14 = arith.constant 0 : i32
      %add3A_15 = arith.addi %mul3A_13, %add3A_14 : i32
      %get3A = arith.index_cast %add3A_15 : i32 to index
      %get3A_16 = tpu.vector_load %arg5[%get3A] {strides = array<i32>} : memref<512xi32, #tpu.memory_space<vmem>>, vector<16xi32>,
      %add3A_17 = arith.constant 0 : i32
      %add3A_18 = vector.broadcast %add3A_17 : i32 to vector<16xi32>
      %add3A_19 = arith.addi %iota3A, %add3A_18 : vector<16xi32>
      tpu.vector_store_idx %arg6[%add3A_19, %get3A_16], %broadcast_in_dim3A_3 : memref<64x1024xf32, #tpu.memory_space<vmem>>[vector<16xi32>, vector<16xi32>], vector<16xf32>,
      %mul3A_20 = arith.constant 64 : i32
      %mul3A_21 = arith.muli %scan3A_11, %mul3A_20 : i32
      %add3A_22 = arith.constant 16 : i32
      %add3A_23 = arith.addi %mul3A_21, %add3A_22 : i32
      %get3A_24 = arith.index_cast %add3A_23 : i32 to index
      %get3A_25 = tpu.vector_load %arg5[%get3A_24] {strides = array<i32>} : memref<512xi32, #tpu.memory_space<vmem>>, vector<16xi32>,
      %add3A_26 = arith.constant 16 : i32
      %add3A_27 = vector.broadcast %add3A_26 : i32 to vector<16xi32>
      %add3A_28 = arith.addi %iota3A, %add3A_27 : vector<16xi32>
      tpu.vector_store_idx %arg6[%add3A_28, %get3A_25], %broadcast_in_dim3A_3 : memref<64x1024xf32, #tpu.memory_space<vmem>>[vector<16xi32>, vector<16xi32>], vector<16xf32>,
      %mul3A_29 = arith.constant 64 : i32
      %mul3A_30 = arith.muli %scan3A_11, %mul3A_29 : i32
      %add3A_31 = arith.constant 32 : i32
      %add3A_32 = arith.addi %mul3A_30, %add3A_31 : i32
      %get3A_33 = arith.index_cast %add3A_32 : i32 to index
      %get3A_34 = tpu.vector_load %arg5[%get3A_33] {strides = array<i32>} : memref<512xi32, #tpu.memory_space<vmem>>, vector<16xi32>,
      %add3A_35 = arith.constant 32 : i32
      %add3A_36 = vector.broadcast %add3A_35 : i32 to vector<16xi32>
      %add3A_37 = arith.addi %iota3A, %add3A_36 : vector<16xi32>
      tpu.vector_store_idx %arg6[%add3A_37, %get3A_34], %broadcast_in_dim3A_3 : memref<64x1024xf32, #tpu.memory_space<vmem>>[vector<16xi32>, vector<16xi32>], vector<16xf32>,
      %mul3A_38 = arith.constant 64 : i32
      %mul3A_39 = arith.muli %scan3A_11, %mul3A_38 : i32
      %add3A_40 = arith.constant 48 : i32
      %add3A_41 = arith.addi %mul3A_39, %add3A_40 : i32
      %get3A_42 = arith.index_cast %add3A_41 : i32 to index
      %get3A_43 = tpu.vector_load %arg5[%get3A_42] {strides = array<i32>} : memref<512xi32, #tpu.memory_space<vmem>>, vector<16xi32>,
      %add3A_44 = arith.constant 48 : i32
      %add3A_45 = vector.broadcast %add3A_44 : i32 to vector<16xi32>
      %add3A_46 = arith.addi %iota3A, %add3A_45 : vector<16xi32>
      tpu.vector_store_idx %arg6[%add3A_46, %get3A_43], %broadcast_in_dim3A_3 : memref<64x1024xf32, #tpu.memory_space<vmem>>[vector<16xi32>, vector<16xi32>], vector<16xf32>,
      %mul3A_47 = arith.constant 64 : i32
      %mul3A_48 = arith.muli %scan3A_11, %mul3A_47 : i32
      %add3A_49 = arith.addi %mul3A_2, %mul3A_48 : i32
      "tpu.region"() ({
        %run_scoped3A = tpu.sem_alloc : memref<!tpu.dma_semaphore, #tpu.memory_space<semaphore_mem>>
        %dma_start3A = arith.constant 0 : i32
        %dma_start3A_86 = tpu.memref_slice %arg4[%add3A_49, %dma_start3A] : memref<16384x1024xf32, #tpu.memory_space<hbm>> -> memref<64x1024xf32, #tpu.memory_space<hbm>>
        %dma_start3A_87 = arith.constant 0 : i32
        %dma_start3A_88 = tpu.memref_slice %arg4[%add3A_49, %dma_start3A_87] : memref<16384x1024xf32, #tpu.memory_space<hbm>> -> memref<64x1024xf32, #tpu.memory_space<hbm>>
        tpu.enqueue_dma source(%arg6 : memref<64x1024xf32, #tpu.memory_space<vmem>>) target(%dma_start3A_88 : memref<64x1024xf32, #tpu.memory_space<hbm>>) target_semaphore(%run_scoped3A : memref<!tpu.dma_semaphore, #tpu.memory_space<semaphore_mem>>)
        %dma_wait3A = arith.constant 0 : i32
        %dma_wait3A_89 = tpu.memref_slice %arg4[%add3A_49, %dma_wait3A] : memref<16384x1024xf32, #tpu.memory_space<hbm>> -> memref<64x1024xf32, #tpu.memory_space<hbm>>
        %dma_wait3A_90 = arith.constant 0 : i32
        %dma_wait3A_91 = tpu.memref_slice %arg4[%add3A_49, %dma_wait3A_90] : memref<16384x1024xf32, #tpu.memory_space<hbm>> -> memref<64x1024xf32, #tpu.memory_space<hbm>>
        tpu.wait_dma2 semaphore(%run_scoped3A : memref<!tpu.dma_semaphore, #tpu.memory_space<semaphore_mem>>) src(%arg6 : memref<64x1024xf32, #tpu.memory_space<vmem>>) dst(%dma_wait3A_91 : memref<64x1024xf32, #tpu.memory_space<hbm>>)
        tpu.yield
      }) : () -> ()
      %mul3A_50 = arith.constant 64 : i32
      %mul3A_51 = arith.muli %scan3A_11, %mul3A_50 : i32
      %add3A_52 = arith.constant 0 : i32
      %add3A_53 = arith.addi %mul3A_51, %add3A_52 : i32
      %get3A_54 = arith.index_cast %add3A_53 : i32 to index
      %get3A_55 = tpu.vector_load %arg5[%get3A_54] {strides = array<i32>} : memref<512xi32, #tpu.memory_space<vmem>>, vector<16xi32>,
      %add3A_56 = arith.constant 0 : i32
      %add3A_57 = vector.broadcast %add3A_56 : i32 to vector<16xi32>
      %add3A_58 = arith.addi %iota3A, %add3A_57 : vector<16xi32>
      tpu.vector_store_idx %arg6[%add3A_58, %get3A_55], %broadcast_in_dim3A_5 : memref<64x1024xf32, #tpu.memory_space<vmem>>[vector<16xi32>, vector<16xi32>], vector<16xf32>,
      %mul3A_59 = arith.constant 64 : i32
      %mul3A_60 = arith.muli %scan3A_11, %mul3A_59 : i32
      %add3A_61 = arith.constant 16 : i32
      %add3A_62 = arith.addi %mul3A_60, %add3A_61 : i32
      %get3A_63 = arith.index_cast %add3A_62 : i32 to index
      %get3A_64 = tpu.vector_load %arg5[%get3A_63] {strides = array<i32>} : memref<512xi32, #tpu.memory_space<vmem>>, vector<16xi32>,
      %add3A_65 = arith.constant 16 : i32
      %add3A_66 = vector.broadcast %add3A_65 : i32 to vector<16xi32>
      %add3A_67 = arith.addi %iota3A, %add3A_66 : vector<16xi32>
      tpu.vector_store_idx %arg6[%add3A_67, %get3A_64], %broadcast_in_dim3A_5 : memref<64x1024xf32, #tpu.memory_space<vmem>>[vector<16xi32>, vector<16xi32>], vector<16xf32>,
      %mul3A_68 = arith.constant 64 : i32
      %mul3A_69 = arith.muli %scan3A_11, %mul3A_68 : i32
      %add3A_70 = arith.constant 32 : i32
      %add3A_71 = arith.addi %mul3A_69, %add3A_70 : i32
      %get3A_72 = arith.index_cast %add3A_71 : i32 to index
      %get3A_73 = tpu.vector_load %arg5[%get3A_72] {strides = array<i32>} : memref<512xi32, #tpu.memory_space<vmem>>, vector<16xi32>,
      %add3A_74 = arith.constant 32 : i32
      %add3A_75 = vector.broadcast %add3A_74 : i32 to vector<16xi32>
      %add3A_76 = arith.addi %iota3A, %add3A_75 : vector<16xi32>
      tpu.vector_store_idx %arg6[%add3A_76, %get3A_73], %broadcast_in_dim3A_5 : memref<64x1024xf32, #tpu.memory_space<vmem>>[vector<16xi32>, vector<16xi32>], vector<16xf32>,
      %mul3A_77 = arith.constant 64 : i32
      %mul3A_78 = arith.muli %scan3A_11, %mul3A_77 : i32
      %add3A_79 = arith.constant 48 : i32
      %add3A_80 = arith.addi %mul3A_78, %add3A_79 : i32
      %get3A_81 = arith.index_cast %add3A_80 : i32 to index
      %get3A_82 = tpu.vector_load %arg5[%get3A_81] {strides = array<i32>} : memref<512xi32, #tpu.memory_space<vmem>>, vector<16xi32>,
      %add3A_83 = arith.constant 48 : i32
      %add3A_84 = vector.broadcast %add3A_83 : i32 to vector<16xi32>
      %add3A_85 = arith.addi %iota3A, %add3A_84 : vector<16xi32>
      tpu.vector_store_idx %arg6[%add3A_85, %get3A_82], %broadcast_in_dim3A_5 : memref<64x1024xf32, #tpu.memory_space<vmem>>[vector<16xi32>, vector<16xi32>], vector<16xf32>,
    }
    %scan3A_10 = arith.constant 8 : i32
    return
  }
}

module attributes {stable_mosaic.version = 14 : i64} {
  func.func @_argmin_body(%arg0: i32, %arg1: memref<2x64x1024xf32, #tpu.memory_space<vmem>>, %arg2: memref<1024x64xf32, #tpu.memory_space<vmem>>, %arg3: memref<16x1x1024xi32, #tpu.memory_space<vmem>>) attributes {dimension_semantics = [#tpu.dimension_semantics<arbitrary>], iteration_bounds = array<i64: 8>, scalar_prefetch = 0 : i64, scratch_operands = 0 : i64, tpu.core_type = #tpu.core_type<tc>, window_params = [{transform_indices = @transform_0, window_bounds = array<i64: 2, 64, 1024>}, {pipeline_mode = #tpu.pipeline_mode<synchronous>, transform_indices = @transform_1, window_bounds = array<i64: 1024, 64>}, {pipeline_mode = #tpu.pipeline_mode<synchronous>, transform_indices = @transform_2, window_bounds = array<i64: 16, 1, 1024>}]} {
    %get3A = arith.constant 0 : index
    %get3A_0 = arith.constant 0 : index
    %get3A_1 = vector.load %arg2[%get3A, %get3A_0] : memref<1024x64xf32, #tpu.memory_space<vmem>>, vector<1024x64xf32>
    %mul3A = arith.mulf %get3A_1, %get3A_1 : vector<1024x64xf32>
    %reduce_sum3A = arith.constant dense<0.000000e+00> : vector<1024xf32>
    %reduce_sum3A_2 = vector.multi_reduction <add>, %mul3A, %reduce_sum3A [1] : vector<1024x64xf32> to vector<1024xf32>
    %broadcast_in_dim3A = vector.shape_cast %reduce_sum3A_2 : vector<1024xf32> to vector<1024x1xf32>
    %add3A = arith.addf %get3A_1, %get3A_1 : vector<1024x64xf32>
    %iota3A = tpu.iota {dimensions = array<i32: 0>} : vector<1024x1024xi32>
    %get3A_3 = arith.constant 0 : index
    %get3A_4 = arith.constant 0 : index
    %get3A_5 = arith.constant 0 : index
    %get3A_6 = vector.load %arg1[%get3A_3, %get3A_4, %get3A_5] : memref<2x64x1024xf32, #tpu.memory_space<vmem>>, vector<1x64x1024xf32>
    %get3A_7 = vector.shape_cast %get3A_6 : vector<1x64x1024xf32> to vector<64x1024xf32>
    %mul3A_8 = arith.mulf %get3A_7, %get3A_7 : vector<64x1024xf32>
    %reduce_sum3A_9 = arith.constant dense<0.000000e+00> : vector<1024xf32>
    %reduce_sum3A_10 = vector.multi_reduction <add>, %mul3A_8, %reduce_sum3A_9 [0] : vector<64x1024xf32> to vector<1024xf32>
    %broadcast_in_dim3A_11 = vector.shape_cast %reduce_sum3A_10 : vector<1024xf32> to vector<1x1024xf32>
    %dot_general3A = arith.constant dense<0.000000e+00> : vector<1024x1024xf32>
    %dot_general3A_12 = tpu.matmul %add3A, %get3A_7, %dot_general3A {dimension_numbers = #tpu.dot_dimension_numbers<[1], [0], [0], [1], [0, 0, 1, 1], [], []>, transpose_lhs_hint = false} : vector<1024x64xf32>, vector<64x1024xf32>, vector<1024x1024xf32> -> vector<1024x1024xf32>
    %add3A_13 = vector.broadcast %broadcast_in_dim3A_11 : vector<1x1024xf32> to vector<1024x1024xf32>
    %add3A_14 = vector.broadcast %broadcast_in_dim3A : vector<1024x1xf32> to vector<1024x1024xf32>
    %add3A_15 = arith.addf %add3A_13, %add3A_14 : vector<1024x1024xf32>
    %sub3A = arith.subf %add3A_15, %dot_general3A_12 : vector<1024x1024xf32>
    %reduce_min3A = arith.constant dense<0x7F800000> : vector<1024xf32>
    %reduce_min3A_16 = vector.multi_reduction <minimumf>, %sub3A, %reduce_min3A [0] : vector<1024x1024xf32> to vector<1024xf32>
    %broadcast_in_dim3A_17 = vector.shape_cast %reduce_min3A_16 : vector<1024xf32> to vector<1x1024xf32>
    %le3A = vector.broadcast %broadcast_in_dim3A_17 : vector<1x1024xf32> to vector<1024x1024xf32>
    %le3A_18 = arith.cmpf ole, %sub3A, %le3A : vector<1024x1024xf32>
    %jit3A = arith.constant 1024 : i32
    %broadcast_in_dim3A_19 = vector.broadcast %jit3A : i32 to vector<1024x1024xi32>
    %select_n3A = arith.select %le3A_18, %iota3A, %broadcast_in_dim3A_19 : vector<1024x1024xi1>, vector<1024x1024xi32>
    %reduce_min3A_20 = arith.constant dense<2147483647> : vector<1024xi32>
    %reduce_min3A_21 = vector.multi_reduction <minsi>, %select_n3A, %reduce_min3A_20 [0] : vector<1024x1024xi32> to vector<1024xi32>
    %broadcast_in_dim3A_22 = vector.shape_cast %reduce_min3A_21 : vector<1024xi32> to vector<1x1024xi32>
    %mul3A_23 = arith.constant 2 : i32
    %mul3A_24 = arith.muli %arg0, %mul3A_23 : i32
    %add3A_25 = arith.constant 0 : i32
    %add3A_26 = arith.addi %mul3A_24, %add3A_25 : i32
    %swap3A = arith.index_cast %add3A_26 : i32 to index
    %swap3A_27 = arith.constant 0 : index
    %swap3A_28 = arith.constant 0 : index
    %swap3A_29 = vector.load %arg3[%swap3A, %swap3A_27, %swap3A_28] : memref<16x1x1024xi32, #tpu.memory_space<vmem>>, vector<1x1x1024xi32>
    %swap3A_30 = vector.shape_cast %swap3A_29 : vector<1x1x1024xi32> to vector<1x1024xi32>
    %swap3A_31 = vector.shape_cast %broadcast_in_dim3A_22 : vector<1x1024xi32> to vector<1x1x1024xi32>
    tpu.vector_store %arg3[%swap3A, %swap3A_27, %swap3A_28], %swap3A_31 {strides = array<i32>} : memref<16x1x1024xi32, #tpu.memory_space<vmem>>, vector<1x1x1024xi32>,
    %get3A_32 = arith.constant 1 : index
    %get3A_33 = arith.constant 0 : index
    %get3A_34 = arith.constant 0 : index
    %get3A_35 = vector.load %arg1[%get3A_32, %get3A_33, %get3A_34] : memref<2x64x1024xf32, #tpu.memory_space<vmem>>, vector<1x64x1024xf32>
    %get3A_36 = vector.shape_cast %get3A_35 : vector<1x64x1024xf32> to vector<64x1024xf32>
    %mul3A_37 = arith.mulf %get3A_36, %get3A_36 : vector<64x1024xf32>
    %reduce_sum3A_38 = arith.constant dense<0.000000e+00> : vector<1024xf32>
    %reduce_sum3A_39 = vector.multi_reduction <add>, %mul3A_37, %reduce_sum3A_38 [0] : vector<64x1024xf32> to vector<1024xf32>
    %broadcast_in_dim3A_40 = vector.shape_cast %reduce_sum3A_39 : vector<1024xf32> to vector<1x1024xf32>
    %dot_general3A_41 = arith.constant dense<0.000000e+00> : vector<1024x1024xf32>
    %dot_general3A_42 = tpu.matmul %add3A, %get3A_36, %dot_general3A_41 {dimension_numbers = #tpu.dot_dimension_numbers<[1], [0], [0], [1], [0, 0, 1, 1], [], []>, transpose_lhs_hint = false} : vector<1024x64xf32>, vector<64x1024xf32>, vector<1024x1024xf32> -> vector<1024x1024xf32>
    %add3A_43 = vector.broadcast %broadcast_in_dim3A_40 : vector<1x1024xf32> to vector<1024x1024xf32>
    %add3A_44 = vector.broadcast %broadcast_in_dim3A : vector<1024x1xf32> to vector<1024x1024xf32>
    %add3A_45 = arith.addf %add3A_43, %add3A_44 : vector<1024x1024xf32>
    %sub3A_46 = arith.subf %add3A_45, %dot_general3A_42 : vector<1024x1024xf32>
    %reduce_min3A_47 = arith.constant dense<0x7F800000> : vector<1024xf32>
    %reduce_min3A_48 = vector.multi_reduction <minimumf>, %sub3A_46, %reduce_min3A_47 [0] : vector<1024x1024xf32> to vector<1024xf32>
    %broadcast_in_dim3A_49 = vector.shape_cast %reduce_min3A_48 : vector<1024xf32> to vector<1x1024xf32>
    %le3A_50 = vector.broadcast %broadcast_in_dim3A_49 : vector<1x1024xf32> to vector<1024x1024xf32>
    %le3A_51 = arith.cmpf ole, %sub3A_46, %le3A_50 : vector<1024x1024xf32>
    %jit3A_52 = arith.constant 1024 : i32
    %broadcast_in_dim3A_53 = vector.broadcast %jit3A_52 : i32 to vector<1024x1024xi32>
    %select_n3A_54 = arith.select %le3A_51, %iota3A, %broadcast_in_dim3A_53 : vector<1024x1024xi1>, vector<1024x1024xi32>
    %reduce_min3A_55 = arith.constant dense<2147483647> : vector<1024xi32>
    %reduce_min3A_56 = vector.multi_reduction <minsi>, %select_n3A_54, %reduce_min3A_55 [0] : vector<1024x1024xi32> to vector<1024xi32>
    %broadcast_in_dim3A_57 = vector.shape_cast %reduce_min3A_56 : vector<1024xi32> to vector<1x1024xi32>
    %mul3A_58 = arith.constant 2 : i32
    %mul3A_59 = arith.muli %arg0, %mul3A_58 : i32
    %add3A_60 = arith.constant 1 : i32
    %add3A_61 = arith.addi %mul3A_59, %add3A_60 : i32
    %swap3A_62 = arith.index_cast %add3A_61 : i32 to index
    %swap3A_63 = arith.constant 0 : index
    %swap3A_64 = arith.constant 0 : index
    %swap3A_65 = vector.load %arg3[%swap3A_62, %swap3A_63, %swap3A_64] : memref<16x1x1024xi32, #tpu.memory_space<vmem>>, vector<1x1x1024xi32>
    %swap3A_66 = vector.shape_cast %swap3A_65 : vector<1x1x1024xi32> to vector<1x1024xi32>
    %swap3A_67 = vector.shape_cast %broadcast_in_dim3A_57 : vector<1x1024xi32> to vector<1x1x1024xi32>
    tpu.vector_store %arg3[%swap3A_62, %swap3A_63, %swap3A_64], %swap3A_67 {strides = array<i32>} : memref<16x1x1024xi32, #tpu.memory_space<vmem>>, vector<1x1x1024xi32>,
    return
  }
  func.func @transform_0(%arg0: i32) -> (i32, i32, i32) {
    %c0_i32 = arith.constant 0 : i32
    %c0_i32_0 = arith.constant 0 : i32
    %c0_i32_1 = arith.constant 0 : i32
    return %arg0, %c0_i32, %c0_i32_0 : i32, i32, i32
  }
  func.func @transform_1(%arg0: i32) -> (i32, i32) {
    %c0_i32 = arith.constant 0 : i32
    %c0_i32_0 = arith.constant 0 : i32
    %c0_i32_1 = arith.constant 0 : i32
    return %c0_i32, %c0_i32_0 : i32, i32
  }
  func.func @transform_2(%arg0: i32) -> (i32, i32, i32) {
    %c0_i32 = arith.constant 0 : i32
    %c0_i32_0 = arith.constant 0 : i32
    %c0_i32_1 = arith.constant 0 : i32
    %c0_i32_2 = arith.constant 0 : i32
    return %c0_i32, %c0_i32_0, %c0_i32_1 : i32, i32, i32
  }
}

module attributes {stable_mosaic.version = 14 : i64} {
  func.func @_outputs_body(%arg0: i32, %arg1: memref<1x64x1024xf32, #tpu.memory_space<vmem>>, %arg2: memref<1024x64xf32, #tpu.memory_space<vmem>>, %arg3: memref<16x1x1024xi32, #tpu.memory_space<vmem>>, %arg4: memref<1x64x1024xf32, #tpu.memory_space<vmem>>, %arg5: memref<1x1xf32, #tpu.memory_space<smem>>, %arg6: memref<1x1xf32, #tpu.memory_space<smem>>, %arg7: memref<1x1xf32, #tpu.memory_space<smem>>, %arg8: memref<1024x1xf32, #tpu.memory_space<vmem>>) attributes {dimension_semantics = [#tpu.dimension_semantics<arbitrary>], iteration_bounds = array<i64: 16>, scalar_prefetch = 0 : i64, scratch_operands = 2 : i64, tpu.core_type = #tpu.core_type<tc>, window_params = [{transform_indices = @transform_0, window_bounds = array<i64: 1, 64, 1024>}, {pipeline_mode = #tpu.pipeline_mode<synchronous>, transform_indices = @transform_1, window_bounds = array<i64: 1024, 64>}, {pipeline_mode = #tpu.pipeline_mode<synchronous>, transform_indices = @transform_2, window_bounds = array<i64: 16, 1, 1024>}, {transform_indices = @transform_3, window_bounds = array<i64: 1, 64, 1024>}, {transform_indices = @transform_4, window_bounds = array<i64: 1, 1>}, {transform_indices = @transform_5, window_bounds = array<i64: 1, 1>}]} {
    %eq3A = arith.constant 0 : i32
    %eq3A_0 = arith.cmpi eq, %arg0, %eq3A : i32
    %convert_element_type3A = arith.extui %eq3A_0 : i1 to i32
    %cond3A = arith.constant 0 : i32
    %cond3A_1 = arith.cmpi ne, %convert_element_type3A, %cond3A : i32
    scf.if %cond3A_1 {
      %swap3A_49 = arith.constant 0.000000e+00 : f32
      %swap3A_50 = arith.constant 0 : index
      %swap3A_51 = arith.constant 0 : index
      %swap3A_52 = memref.load %arg7[%swap3A_50, %swap3A_51] : memref<1x1xf32, #tpu.memory_space<smem>>
      memref.store %swap3A_49, %arg7[%swap3A_50, %swap3A_51] : memref<1x1xf32, #tpu.memory_space<smem>>
      %broadcast_in_dim3A_53 = arith.constant 0.000000e+00 : f32
      %broadcast_in_dim3A_54 = vector.broadcast %broadcast_in_dim3A_53 : f32 to vector<1024x1xf32>
      %swap3A_55 = arith.constant 0 : index
      %swap3A_56 = arith.constant 0 : index
      %swap3A_57 = vector.load %arg8[%swap3A_55, %swap3A_56] : memref<1024x1xf32, #tpu.memory_space<vmem>>, vector<1024x1xf32>
      tpu.vector_store %arg8[%swap3A_55, %swap3A_56], %broadcast_in_dim3A_54 {strides = array<i32>} : memref<1024x1xf32, #tpu.memory_space<vmem>>, vector<1024x1xf32>,
    } else {
    }
    %get3A = arith.constant 0 : index
    %get3A_2 = arith.constant 0 : index
    %get3A_3 = arith.constant 0 : index
    %get3A_4 = vector.load %arg1[%get3A, %get3A_2, %get3A_3] : memref<1x64x1024xf32, #tpu.memory_space<vmem>>, vector<1x64x1024xf32>
    %get3A_5 = vector.shape_cast %get3A_4 : vector<1x64x1024xf32> to vector<64x1024xf32>
    %get3A_6 = arith.constant 0 : index
    %get3A_7 = arith.constant 0 : index
    %get3A_8 = vector.load %arg2[%get3A_6, %get3A_7] : memref<1024x64xf32, #tpu.memory_space<vmem>>, vector<1024x64xf32>
    %get3A_9 = arith.index_cast %arg0 : i32 to index
    %get3A_10 = arith.constant 0 : index
    %get3A_11 = arith.constant 0 : index
    %get3A_12 = vector.load %arg3[%get3A_9, %get3A_10, %get3A_11] : memref<16x1x1024xi32, #tpu.memory_space<vmem>>, vector<1x1x1024xi32>
    %get3A_13 = vector.shape_cast %get3A_12 : vector<1x1x1024xi32> to vector<1x1024xi32>
    %iota3A = tpu.iota {dimensions = array<i32: 0>} : vector<1024x1024xi32>
    %eq3A_14 = vector.broadcast %get3A_13 : vector<1x1024xi32> to vector<1024x1024xi32>
    %eq3A_15 = arith.cmpi eq, %iota3A, %eq3A_14 : vector<1024x1024xi32>
    %convert_element_type3A_16 = arith.extui %eq3A_15 : vector<1024x1024xi1> to vector<1024x1024xi32>
    %convert_element_type3A_17 = arith.sitofp %convert_element_type3A_16 : vector<1024x1024xi32> to vector<1024x1024xf32>
    %get3A_18 = arith.constant 0 : index
    %get3A_19 = arith.constant 0 : index
    %get3A_20 = vector.load %arg8[%get3A_18, %get3A_19] : memref<1024x1xf32, #tpu.memory_space<vmem>>, vector<1024x1xf32>
    %reduce_sum3A = arith.constant dense<0.000000e+00> : vector<1024xf32>
    %reduce_sum3A_21 = vector.multi_reduction <add>, %convert_element_type3A_17, %reduce_sum3A [1] : vector<1024x1024xf32> to vector<1024xf32>
    %broadcast_in_dim3A = vector.shape_cast %reduce_sum3A_21 : vector<1024xf32> to vector<1024x1xf32>
    %add3A = arith.addf %get3A_20, %broadcast_in_dim3A : vector<1024x1xf32>
    %swap3A = arith.constant 0 : index
    %swap3A_22 = arith.constant 0 : index
    %swap3A_23 = vector.load %arg8[%swap3A, %swap3A_22] : memref<1024x1xf32, #tpu.memory_space<vmem>>, vector<1024x1xf32>
    tpu.vector_store %arg8[%swap3A, %swap3A_22], %add3A {strides = array<i32>} : memref<1024x1xf32, #tpu.memory_space<vmem>>, vector<1024x1xf32>,
    %dot_general3A = arith.constant dense<0.000000e+00> : vector<64x1024xf32>
    %dot_general3A_24 = tpu.matmul %get3A_8, %convert_element_type3A_17, %dot_general3A {dimension_numbers = #tpu.dot_dimension_numbers<[0], [0], [1], [1], [0, 1, 1, 1], [], []>, transpose_lhs_hint = false} : vector<1024x64xf32>, vector<1024x1024xf32>, vector<64x1024xf32> -> vector<64x1024xf32>
    %sub3A = arith.subf %dot_general3A_24, %get3A_5 : vector<64x1024xf32>
    %add3A_25 = arith.addf %get3A_5, %sub3A : vector<64x1024xf32>
    %swap3A_26 = arith.constant 0 : index
    %swap3A_27 = arith.constant 0 : index
    %swap3A_28 = arith.constant 0 : index
    %swap3A_29 = vector.load %arg4[%swap3A_26, %swap3A_27, %swap3A_28] : memref<1x64x1024xf32, #tpu.memory_space<vmem>>, vector<1x64x1024xf32>
    %swap3A_30 = vector.shape_cast %swap3A_29 : vector<1x64x1024xf32> to vector<64x1024xf32>
    %swap3A_31 = vector.shape_cast %add3A_25 : vector<64x1024xf32> to vector<1x64x1024xf32>
    tpu.vector_store %arg4[%swap3A_26, %swap3A_27, %swap3A_28], %swap3A_31 {strides = array<i32>} : memref<1x64x1024xf32, #tpu.memory_space<vmem>>, vector<1x64x1024xf32>,
    %get3A_32 = arith.constant 0 : index
    %get3A_33 = arith.constant 0 : index
    %get3A_34 = memref.load %arg7[%get3A_32, %get3A_33] : memref<1x1xf32, #tpu.memory_space<smem>>
    %mul3A = arith.mulf %sub3A, %sub3A : vector<64x1024xf32>
    %reduce_sum3A_35 = vector.shape_cast %mul3A : vector<64x1024xf32> to vector<1x64x1024xf32>
    %reduce_sum3A_36 = arith.constant dense<0.000000e+00> : vector<1xf32>
    %reduce_sum3A_37 = vector.multi_reduction <add>, %reduce_sum3A_35, %reduce_sum3A_36 [1, 2] : vector<1x64x1024xf32> to vector<1xf32>
    %reduce_sum3A_38 = vector.shape_cast %reduce_sum3A_37 : vector<1xf32> to vector<1x1x1xf32>
    %reduce_sum3A_39 = vector.extract %reduce_sum3A_38[0, 0, 0] : f32 from vector<1x1x1xf32>
    %add3A_40 = arith.addf %get3A_34, %reduce_sum3A_39 : f32
    %swap3A_41 = arith.constant 0 : index
    %swap3A_42 = arith.constant 0 : index
    %swap3A_43 = memref.load %arg7[%swap3A_41, %swap3A_42] : memref<1x1xf32, #tpu.memory_space<smem>>
    memref.store %add3A_40, %arg7[%swap3A_41, %swap3A_42] : memref<1x1xf32, #tpu.memory_space<smem>>
    %eq3A_44 = arith.constant 15 : i32
    %eq3A_45 = arith.cmpi eq, %arg0, %eq3A_44 : i32
    %convert_element_type3A_46 = arith.extui %eq3A_45 : i1 to i32
    %cond3A_47 = arith.constant 0 : i32
    %cond3A_48 = arith.cmpi ne, %convert_element_type3A_46, %cond3A_47 : i32
    scf.if %cond3A_48 {
      %get3A_49 = arith.constant 0 : index
      %get3A_50 = arith.constant 0 : index
      %get3A_51 = memref.load %arg7[%get3A_49, %get3A_50] : memref<1x1xf32, #tpu.memory_space<smem>>
      %div3A = arith.constant 0x49800000 : f32
      %div3A_52 = arith.divf %get3A_51, %div3A : f32
      %mul3A_53 = arith.constant 2.500000e-01 : f32
      %mul3A_54 = arith.mulf %mul3A_53, %div3A_52 : f32
      %add3A_55 = arith.addf %div3A_52, %mul3A_54 : f32
      %swap3A_56 = arith.constant 0 : index
      %swap3A_57 = arith.constant 0 : index
      %swap3A_58 = memref.load %arg5[%swap3A_56, %swap3A_57] : memref<1x1xf32, #tpu.memory_space<smem>>
      memref.store %add3A_55, %arg5[%swap3A_56, %swap3A_57] : memref<1x1xf32, #tpu.memory_space<smem>>
      %get3A_59 = arith.constant 0 : index
      %get3A_60 = arith.constant 0 : index
      %get3A_61 = vector.load %arg8[%get3A_59, %get3A_60] : memref<1024x1xf32, #tpu.memory_space<vmem>>, vector<1024x1xf32>
      %mul3A_62 = arith.constant 6.10351563E-5 : f32
      %mul3A_63 = vector.broadcast %mul3A_62 : f32 to vector<1024x1xf32>
      %mul3A_64 = arith.mulf %get3A_61, %mul3A_63 : vector<1024x1xf32>
      %add3A_65 = arith.constant 1.000000e-10 : f32
      %add3A_66 = vector.broadcast %add3A_65 : f32 to vector<1024x1xf32>
      %add3A_67 = arith.addf %mul3A_64, %add3A_66 : vector<1024x1xf32>
      %log3A = math.log %add3A_67 : vector<1024x1xf32>
      %mul3A_68 = arith.mulf %mul3A_64, %log3A : vector<1024x1xf32>
      %reduce_sum3A_69 = vector.shape_cast %mul3A_68 : vector<1024x1xf32> to vector<1x1024x1xf32>
      %reduce_sum3A_70 = arith.constant dense<0.000000e+00> : vector<1xf32>
      %reduce_sum3A_71 = vector.multi_reduction <add>, %reduce_sum3A_69, %reduce_sum3A_70 [1, 2] : vector<1x1024x1xf32> to vector<1xf32>
      %reduce_sum3A_72 = vector.shape_cast %reduce_sum3A_71 : vector<1xf32> to vector<1x1x1xf32>
      %reduce_sum3A_73 = vector.extract %reduce_sum3A_72[0, 0, 0] : f32 from vector<1x1x1xf32>
      %neg3A = arith.constant 0.000000e+00 : f32
      %neg3A_74 = arith.subf %neg3A, %reduce_sum3A_73 : f32
      %exp3A = math.exp %neg3A_74 : f32
      %swap3A_75 = arith.constant 0 : index
      %swap3A_76 = arith.constant 0 : index
      %swap3A_77 = memref.load %arg6[%swap3A_75, %swap3A_76] : memref<1x1xf32, #tpu.memory_space<smem>>
      memref.store %exp3A, %arg6[%swap3A_75, %swap3A_76] : memref<1x1xf32, #tpu.memory_space<smem>>
    } else {
    }
    return
  }
  func.func @transform_0(%arg0: i32) -> (i32, i32, i32) {
    %c0_i32 = arith.constant 0 : i32
    %c0_i32_0 = arith.constant 0 : i32
    %c0_i32_1 = arith.constant 0 : i32
    return %arg0, %c0_i32, %c0_i32_0 : i32, i32, i32
  }
  func.func @transform_1(%arg0: i32) -> (i32, i32) {
    %c0_i32 = arith.constant 0 : i32
    %c0_i32_0 = arith.constant 0 : i32
    %c0_i32_1 = arith.constant 0 : i32
    return %c0_i32, %c0_i32_0 : i32, i32
  }
  func.func @transform_2(%arg0: i32) -> (i32, i32, i32) {
    %c0_i32 = arith.constant 0 : i32
    %c0_i32_0 = arith.constant 0 : i32
    %c0_i32_1 = arith.constant 0 : i32
    %c0_i32_2 = arith.constant 0 : i32
    return %c0_i32, %c0_i32_0, %c0_i32_1 : i32, i32, i32
  }
  func.func @transform_3(%arg0: i32) -> (i32, i32, i32) {
    %c0_i32 = arith.constant 0 : i32
    %c0_i32_0 = arith.constant 0 : i32
    %c0_i32_1 = arith.constant 0 : i32
    return %arg0, %c0_i32, %c0_i32_0 : i32, i32, i32
  }
  func.func @transform_4(%arg0: i32) -> (i32, i32) {
    %c0_i32 = arith.constant 0 : i32
    %c0_i32_0 = arith.constant 0 : i32
    %c0_i32_1 = arith.constant 0 : i32
    return %c0_i32, %c0_i32_0 : i32, i32
  }
  func.func @transform_5(%arg0: i32) -> (i32, i32) {
    %c0_i32 = arith.constant 0 : i32
    %c0_i32_0 = arith.constant 0 : i32
    %c0_i32_1 = arith.constant 0 : i32
    return %c0_i32, %c0_i32_0 : i32, i32
  }
}

</mosaic_0001>

<sc_bundles>
// kernel: kernel.5.cloned.1.call-start
scs
__scs_entry_jumppad:
0x0: {  	(pc) =	sbr.rel $0x88, $3  }
0x1: {  	(tag) =	ssettag $0x0;
	lr =	simm.s32 $0x1  }
0x2: {  	[smem:$0x3F9F] =	sst lr;
	_ =	strace $0xD0000000  }
0x3: {  	_ = 	snop  }
0x4: {  	_ = 	snop  }
0x5: {  	_ = 	snop  }
0x6: {  	_ = 	snop  }
0x7: {  	_ = 	snop  }
__scs_overlays_trampoline_lowered:
0x8: {  	[smem:$0x3FAE] =	sst s0  }
0x9: {  	[smem:$0x3FAF] =	sst s1  }
0xa: {  	[smem:$0x3FB0] =	sst s2  }
0xb: {  	[smem:$0x3FB1] =	sst s3  }
0xc: {  	[smem:$0x3FB2] =	sst s4  }
0xd: {  	[smem:$0x3FB3] =	sst s5  }
0xe: {  	[smem:$0x3FB4] =	sst s6  }
0xf: {  	[smem:$0x3FB5] =	sst s7  }
0x10: {  	[smem:$0x3FB6] =	sst s8  }
0x11: {  	[smem:$0x3FB7] =	sst s9;
	s0 =	simm.s32 @!p0 $0x0  }
0x12: {  	s1 =	sld [smem:$0x3F9D];
	s0 =	simm.s32 @p0 $0x1  }
0x13: {  	[smem:$0x3FB8] =	sst s0;
	s0 =	simm.s32 @!p1 $0x0  }
0x14: {  	s2 =	sld [smem:$0x3F9C];
	s0 =	simm.s32 @p1 $0x1  }
0x15: {  	[smem:$0x3FB9] =	sst s0;
	s0 =	simm.s32 @!p2 $0x0  }
0x16: {  	s3 =	sld [smem:$0x3FDB];
	s0 =	simm.s32 @p2 $0x1  }
0x17: {  	s4 =	simm.s32 $0x1BF5;
	[smem:$0x3FBB] =	sst s0  }
0x18: {  	s0 =	sld [smem:$0x3F9E];
	_ =	swait.ge [sflag:s4], $0x0  }
0x19: {  	s7 =	sld [smem:$0x3F9F]  }
0x1a: {  	s8 =	sadd.s32 $0xFFFFE003, lr  }
0x1b: {  	s9 =	sadd.s32 $0xFFFFFEF7, lr;
	s5 =	simm.s32 $0xFFFFFFFF;
	p2 =	slt.u32 s8, $0xFFFFF086  }
0x1c: {  	p1 =	slt.u32 s9, $0xF7A;
	s5 =	simm.s32 @!p2 $0x0  }
0x1d: {  	s5 =	simm.s32 @p1 $0x1;
	p0 =	seq.s32 s7, s2  }
0x1e: {  	s7 =	smul.u32 @!p0 $0xF7A, s2;
	p2 =	seq.s32 @!p0 s5, $0x0  }
0x1f: {  	s9 =	smul.u32 $0xF7A, s1;
	s8 =	simm.s32 @!p0 $0x1BF5;
	p2 =	por !p2, p0  }
0x20: {  	[sflag:s8] =	ssyncset.s32 @!p0 $0xFFFFF086;
	s6 =	sadd.s32 @!p0 s3, s7;
	s7 =	simm.s32 @!p0 $0x108  }
0x21: {  	s3 =	sadd.s32 s3, s9;
	s6 =	sadd.s32 @!p0 $0x88, s6;
	s7 =	simm.s32 @p2 $0x1082  }
0x22: {  	[simem:s7], [sflag:s8] =	dma.local @!p0 [hbm:s6], $0xF7A  }
0x23: {  	s9 =	sor.u32 $0xD0000000, s2;
	s6 =	simm.s32 $0x108;
	_ =	swait.ge @!p0 [sflag:s8], $0x0  }
0x24: {  	s3 =	sadd.s32 $0x88, s3;
	s6 =	simm.s32 @!p1 $0x1082;
	[sflag:s4] =	ssyncset.s32 $0xFFFFF086  }
0x25: {  	[simem:s6], [sflag:s4] =	dma.local [hbm:s3], $0xF7A  }
0x26: {  	[smem:$0x3F9F] =	sst s1;
	(tag) =	ssettag s2;
	_ =	strace s9  }
0x27: {  	s1 =	sld [smem:$0x3FAF]  }
0x28: {  	s2 =	sld [smem:$0x3FB0]  }
0x29: {  	s4 =	sld [smem:$0x3FB2]  }
0x2a: {  	p0 =	seq.s32 s5, $0x0;
	s5 =	sld [smem:$0x3FB3]  }
0x2b: {  	s6 =	sld [smem:$0x3FB4]  }
0x2c: {  	s7 =	sld [smem:$0x3FB5]  }
0x2d: {  	s3 =	simm.s32 $0x108;
	s8 =	sld [smem:$0x3FB6]  }
0x2e: {  	s3 =	simm.s32 @!p0 $0x1082;
	s9 =	sld [smem:$0x3FB7]  }
0x2f: {  	lr =	sadd.s32 s0, s3;
	s0 =	sld [smem:$0x3FAE]  }
0x30: {  	s3 =	sld [smem:$0x3FB1]  }
0x31: {  	[smem:$0x3FBA] =	sst s10  }
0x32: {  	s10 =	sld [smem:$0x3FB8];
	_ =	sdelay $0x3  }
0x33: {  	p0 =	seq.s32 s10, $0x1;
	s10 =	sld [smem:$0x3FBA];
	_ =	sdelay $0x3  }
0x34: {  	[smem:$0x3FBA] =	sst s10  }
0x35: {  	s10 =	sld [smem:$0x3FB9];
	_ =	sdelay $0x3  }
0x36: {  	p1 =	seq.s32 s10, $0x1;
	s10 =	sld [smem:$0x3FBA];
	_ =	sdelay $0x3  }
0x37: {  	[smem:$0x3FBA] =	sst s10  }
0x38: {  	s10 =	sld [smem:$0x3FBB]  }
0x39: {  	_ = 	snop;
	(pc) =	sbr.ind lr, $3  }
0x3a: {  	_ = 	snop  }
0x3b: {  	_ = 	snop  }
0x3c: {  	p2 =	seq.s32 s10, $0x1;
	s10 =	sld [smem:$0x3FBA]  }
0x3d: {  	_ =	shalt  }
0x3e: {  	_ =	shalt  }
0x3f: {  	_ =	shalt  }
0x40: {  	_ =	shalt  }
0x41: {  	_ =	shalt  }
0x42: {  	_ =	shalt  }
0x43: {  	_ =	shalt  }
0x44: {  	_ =	shalt  }
0x45: {  	_ =	shalt  }
0x46: {  	_ =	shalt  }
0x47: {  	_ =	shalt  }
0x48: {  	_ =	shalt  }
0x49: {  	_ =	shalt  }
0x4a: {  	_ =	shalt  }
0x4b: {  	_ =	shalt  }
0x4c: {  	_ =	shalt  }
0x4d: {  	_ =	shalt  }
0x4e: {  	_ =	shalt  }
0x4f: {  	_ =	shalt  }
0x50: {  	_ =	shalt  }
0x51: {  	_ =	shalt  }
0x52: {  	_ =	shalt  }
0x53: {  	_ =	shalt  }
0x54: {  	_ =	shalt  }
0x55: {  	_ =	shalt  }
0x56: {  	_ =	shalt  }
0x57: {  	_ =	shalt  }
0x58: {  	_ =	shalt  }
0x59: {  	_ =	shalt  }
0x5a: {  	_ =	shalt  }
0x5b: {  	_ =	shalt  }
0x5c: {  	_ =	shalt  }
0x5d: {  	_ =	shalt  }
0x5e: {  	_ =	shalt  }
0x5f: {  	_ =	shalt  }
0x60: {  	_ =	shalt  }
0x61: {  	_ =	shalt  }
0x62: {  	_ =	shalt  }
0x63: {  	_ =	shalt  }
0x64: {  	_ =	shalt  }
0x65: {  	_ =	shalt  }
0x66: {  	_ =	shalt  }
0x67: {  	_ =	shalt  }
0x68: {  	_ =	shalt  }
0x69: {  	_ =	shalt  }
0x6a: {  	_ =	shalt  }
0x6b: {  	_ =	shalt  }
0x6c: {  	_ =	shalt  }
0x6d: {  	_ =	shalt  }
0x6e: {  	_ =	shalt  }
0x6f: {  	_ =	shalt  }
0x70: {  	_ =	shalt  }
0x71: {  	_ =	shalt  }
0x72: {  	_ =	shalt  }
0x73: {  	_ =	shalt  }
0x74: {  	_ =	shalt  }
0x75: {  	_ =	shalt  }
0x76: {  	_ =	shalt  }
0x77: {  	_ =	shalt  }
0x78: {  	_ =	shalt  }
0x79: {  	_ =	shalt  }
0x7a: {  	_ =	shalt  }
0x7b: {  	_ =	shalt  }
0x7c: {  	_ =	shalt  }
0x7d: {  	_ =	shalt  }
0x7e: {  	_ =	shalt  }
0x7f: {  	_ =	shalt  }
0x80: {  	_ =	shalt  }
0x81: {  	_ =	shalt  }
0x82: {  	_ =	shalt  }
0x83: {  	_ =	shalt  }
0x84: {  	_ =	shalt  }
0x85: {  	_ =	shalt  }
0x86: {  	_ =	shalt  }
0x87: {  	_ =	shalt  }
.Lfunc_end0:
.L_simem_size_0:
called_computation_lowered:
.L_overlay_start_0:
0x88: {  	s2 =	sld [smem:$0x3FD9]  }
0x89: {  	s3 =	sld [smem:$0x3FFE];
	_ =	sdelay $0x1  }
0x8a: {  	s1 =	srdreg.scid  }
0x8b: {  	s0 =	sand.u32 $0x1, s1  }
0x8c: {  	s14 =	sshll.u32 s0, $0xA;
	s2 =	sadd.s32 s3, s2  }
0x8d: {  	s2 =	sadd.s32 s2, s14  }
0x8e: {  	[smem:$0x3FC6] =	sst s2  }
0x8f: {  	_ = 	snop  }
0x90: {  	s2 =	sld [smem:$0x3FD0];
	_ =	sdelay $0x2  }
0x91: {  	s15 =	simm.s32 $0xA;
	s4 =	simm.s32 $0x10  }
0x92: {  	[smem:s4], [sflag:s15] =	dma.local [hbm:s2], $0x1  }
0x93: {  	_ =	swait.eq [sflag:s15], $0x1  }
0x94: {  	[sflag:s15] =	ssyncset.done $0x0  }
0x95: {  	[sflag:s15] =	ssyncadd.s32 $0xFFFFFFFF  }
0x96: {  	s16 =	sld [smem:$0x13];
	(tm) =	ssettm $0x1  }
0x97: {  	s17 =	sld [smem:$0x3FFB];
	_ =	sdelay $0x3  }
0x98: {  	_ =	strace s17  }
0x99: {  	s3 =	sld [smem:$0x3FFC];
	_ =	sdelay $0x3  }
0x9a: {  	_ =	strace s3  }
0x9b: {  	s3 =	sld [smem:$0x3FFD];
	_ =	sdelay $0x3  }
0x9c: {  	_ =	strace s3  }
0x9d: {  	_ =	strace $0x8FFFFFFF  }
0x9e: {  	s18 =	sld [smem:$0x3FDB];
	_ =	sdelay $0x1  }
0x9f: {  	s19 =	simm.s32 $_scs_section_size  }
0xa0: {  	s5 =	simm.s32 $_size__tile_overlayer_lowered;
	s6 =	simm.s32 $_tile_overlayer_lowered  }
0xa1: {  	s22 =	simm.s32 $0x1BFF;
	s21 =	sshll.u32 s6, $0x1;
	s3 =	sadd.s32 s19, s18  }
0xa2: {  	s7 =	simm.s32 $0x0;
	s20 =	sshll.u32 s5, $0x1;
	s5 =	sadd.s32 s21, s3  }
0xa3: {  	[timem:s7], [sflag:s22] =	dma.local [hbm:s5], s20  }
0xa4: {  	_ =	swait.ge [sflag:s22], s20  }
0xa5: {  	s4 =	ssub.s32 $0x0, s20;
	[sflag:s22] =	ssyncset.done $0x0  }
0xa6: {  	[sflag:s22] =	ssyncadd.s32 s4;
	_ =	sdelay $0x1  }
0xa7: {  	s23 =	simm.s32 $0x1B8B  }
0xa8: {  	_ =	swait.ge [sflag:s23], $0x1  }
0xa9: {  	[sflag:s23] =	ssyncset.done $0x0  }
0xaa: {  	s25 =	simm.s32 $0x1B8E;
	s24 =	sld [smem:$0x3FFE];
	[sflag:s23] =	ssyncadd.s32 $0xFFFFFFFF  }
0xab: {  	s26 =	simm.s32 $execute0_lowered;
	[smem:$0x3FD2] =	sst s25  }
0xac: {  	s5 =	sshll.u32 s26, $0x1;
	_ =	strace $0x80000046;
	[dreg:$0x1] =	wrdreg $0xFFFFFFFF  }
0xad: {  	s28 =	simm.s32 $_size_execute0_lowered;
	s3 =	sadd.s32 s3, s5;
	[dreg:$0x0] =	wrdreg $0x0  }
0xae: {  	s5 =	sshll.u32 s28, $0x1;
	[dreg:$0x2] =	wrdreg s3  }
0xaf: {  	[dreg:$0x3] =	wrdreg s5  }
0xb0: {  	[dreg:$0x4] =	wrdreg $0xC0  }
0xb1: {  	_ =	task [dreg:s7], $0x5FFFF  }
0xb2: {  	[dreg:$0x1] =	wrdreg $0xFFFFFFFF  }
0xb3: {  	[dreg:$0x0] =	wrdreg $0x60  }
0xb4: {  	[dreg:$0x2] =	wrdreg s24  }
0xb5: {  	[dreg:$0x3] =	wrdreg s16  }
0xb6: {  	[dreg:$0x4] =	wrdreg $0x9  }
0xb7: {  	_ =	task.clear_ibuf [dreg:s7], $0x5FFFF;
	_ =	strace $0x90000046  }
0xb8: {  	s29 =	simm.s32 $0x9;
	_ =	strace $0x80000048  }
0xb9: {  	_ =	swait.ge [sflag:s29], $0x1  }
0xba: {  	[sflag:s29] =	ssyncadd.s32 $0xFFFFFFFF  }
0xbb: {  	_ =	strace $0x90000048  }
0xbc: {  	_ =	sfence  }
0xbd: {  	s30 =	sld [smem:$0x0];
	_ =	sdelay $0x2  }
0xbe: {  	s31 =	sshll.u32 s1, $0xD;
	s1 =	sshrl.u32 s1, $0x2  }
0xbf: {  	s3 =	sand.u32 $0x4000, s31;
	s1 =	sadd.s32 s1, s30  }
0xc0: {  	s0 =	sor.u32 s3, s0;
	s1 =	sshll.u32 s1, $0x11  }
0xc1: {  	s0 =	sor.u32 s1, s0  }
0xc2: {  	s0 =	sadd.s32 $0x8F2B, s0  }
0xc3: {  	[sflag:s0] =	ssyncadd.remote.s32 $0x1  }
0xc4: {  	_ =	sfence.sel $0xFFFF  }
0xc5: {  	[dreg:$0x0] =	wrdreg $0xFFFFFFFF;
	(pc) =	sbr.abs _section_cstart, $3  }
0xc6: {  	[dreg:$0x1] =	wrdreg $0xFFFFFFFF  }
0xc7: {  	_ =	task.clear_ibuf [dreg:s7], $0x2FFFF;
	_ =	strace $0x9FFFFFFF  }
0xc8: {  	(tm) =	ssettm $0x7FFFFFFF  }
0xc9: {  	_ =	shalt  }
tec
execute0_lowered:
.L_overlay_start_1:
0x0: {  	(tag) =	ssettag $0x1  }
0x1: {  	v0 =	vimm.s32 $0x2380;
	vm14 =	vcmask $0x300;
	vm13 =	vcmask $0x704  }
0x2: {  	vm12 =	vcmask $0xB08;
	vm11 =	vcmask $0xF0C;
	vm10 =	vcmask $0x1310  }
0x3: {  	vm9 =	vcmask $0x1714;
	vm8 =	vcmask $0x1B18;
	vm7 =	vcmask $0x1F1C  }
0x4: {  	vm6 =	vcmask $0x2320;
	vm5 =	vcmask $0x2724;
	vm4 =	vcmask $0x2B28  }
0x5: {  	vm3 =	vcmask $0x2F2C;
	vm2 =	vcmask $0x3330;
	vm1 =	vcmask $0x3734  }
0x6: {  	vm0 =	vcmask $0x3B38;
	v1 =	vimm.f32 $1.000000000e+00;
	v2 =	vimm.s32 $0x6380  }
0x7: {  	v3 =	vimm.s32 $0xA380;
	v4 =	vimm.s32 $0xE380;
	v5 =	vimm.f32 $0.0e+00  }
0x8: {  	v0 =	vsel vm14, $0x0, v0;
	v2 =	vsel vm14, $0x4000, v2;
	v3 =	vsel vm14, $0x8000, v3  }
0x9: {  	v4 =	vsel vm14, $0xC000, v4;
	v0 =	vsel vm13, $0x80, v0;
	v2 =	vsel vm13, $0x4080, v2  }
0xa: {  	v3 =	vsel vm13, $0x8080, v3;
	v4 =	vsel vm13, $0xC080, v4;
	v0 =	vsel vm12, $0x100, v0  }
0xb: {  	v2 =	vsel vm12, $0x4100, v2;
	v3 =	vsel vm12, $0x8100, v3;
	v4 =	vsel vm12, $0xC100, v4  }
0xc: {  	v0 =	vsel vm11, $0x180, v0;
	v2 =	vsel vm11, $0x4180, v2;
	v3 =	vsel vm11, $0x8180, v3  }
0xd: {  	v4 =	vsel vm11, $0xC180, v4;
	v0 =	vsel vm10, $0x200, v0;
	v2 =	vsel vm10, $0x4200, v2  }
0xe: {  	v3 =	vsel vm10, $0x8200, v3;
	v4 =	vsel vm10, $0xC200, v4;
	v0 =	vsel vm9, $0x280, v0  }
0xf: {  	v2 =	vsel vm9, $0x4280, v2;
	v3 =	vsel vm9, $0x8280, v3;
	v4 =	vsel vm9, $0xC280, v4  }
0x10: {  	v0 =	vsel vm8, $0x300, v0;
	v2 =	vsel vm8, $0x4300, v2;
	v3 =	vsel vm8, $0x8300, v3  }
0x11: {  	v4 =	vsel vm8, $0xC300, v4;
	v0 =	vsel vm7, $0x380, v0;
	v2 =	vsel vm7, $0x4380, v2  }
0x12: {  	s1 =	srdreg.scid;
	v3 =	vsel vm7, $0x8380, v3;
	v4 =	vsel vm7, $0xC380, v4;
	v0 =	vsel vm6, $0x2000, v0  }
0x13: {  	s3 =	rddreg [dreg:$0x0];
	s0 =	stileid.u32;
	v2 =	vsel vm6, $0x6000, v2;
	v3 =	vsel vm6, $0xA000, v3;
	v4 =	vsel vm6, $0xE000, v4  }
0x14: {  	s5 =	rddreg [dreg:$0x1];
	s2 =	simm.s32 $0x0;
	s4 =	sand.u32 $0x1, s1;
	v0 =	vsel vm5, $0x2080, v0;
	v2 =	vsel vm5, $0x6080, v2;
	v3 =	vsel vm5, $0xA080, v3  }
0x15: {  	s6 =	sshll.u32 s0, $0xA;
	[smem:$0x7FF] =	sst s2;
	s9 =	sshll.u32 s0, $0x11;
	v4 =	vsel vm5, $0xE080, v4;
	v0 =	vsel vm4, $0x2100, v0;
	v2 =	vsel vm4, $0x6100, v2  }
0x16: {  	s1 =	rddreg [dreg:$0x2];
	s7 =	sshll.u32 s4, $0x9;
	_ =	strace $0x80000047;
	v3 =	vsel vm4, $0xA100, v3;
	v4 =	vsel vm4, $0xE100, v4;
	v0 =	vsel vm3, $0x2180, v0  }
0x17: {  	s29 =	ssub.s32 $0x2, s4;
	s30 =	sadd.s32 s9, s5;
	s31 =	sshll.u32 s4, $0x10;
	v2 =	vsel vm3, $0x6180, v2;
	v3 =	vsel vm3, $0xA180, v3;
	v4 =	vsel vm3, $0xE180, v4  }
0x18: {  	s9 =	simm.s32 $0x0;
	s6 =	sor.u32 s7, s6;
	s8 =	sshrl.u32 s29, $0x1;
	v0 =	vsel vm2, $0x2200, v0;
	v2 =	vsel vm2, $0x6200, v2;
	v3 =	vsel vm2, $0xA200, v3  }
0x19: {  	s6 =	sshrl.u32 s6, $0x3;
	s7 =	ssub.s32 s29, s8;
	s8 =	simm.s32 $0x200;
	v4 =	vsel vm2, $0xE200, v4;
	v0 =	vsel vm1, $0x2280, v0;
	v2 =	vsel vm1, $0x6280, v2  }
0x1a: {  	s6 =	sadd.s32 s6, s3;
	s3 =	sadd.s32 $0x1400, s3;
	s5 =	smax.u32 s7, $0x1;
	v3 =	vsel vm1, $0xA280, v3;
	v4 =	vsel vm1, $0xE280, v4;
	v0 =	vsel vm0, $0x2300, v0  }
0x1b: {  	s7 =	simm.s32 $0x1;
	s4 =	sadd.s32 $0xC00, s6;
	s6 =	sadd.s32 s31, s30;
	v2 =	vsel vm0, $0x6300, v2;
	v3 =	vsel vm0, $0xA300, v3;
	v4 =	vsel vm0, $0xE300, v4  }
.LBB2_1:
0x1c: {  	[tilespmem:s2], [sflag:$0x1] =	stream.linear.gather [hbm4b:s4+s2], $0x200, $0x38;
	[tilespmem:$0x10200] =	vst v63  }
0x1d: {  	_ =	swait.ge [sflag:s7], $0x200  }
0x1e: {  	[sflag:s7] =	ssyncset.done $0x0  }
0x1f: {  	[sflag:s7] =	ssyncadd.s32 $0xFFFFFE00  }
0x20: {  	[tilespmem:s8], [sflag:$0x1] =	stream.linear.gather [hbm4b:s3+s2], $0x10000, $0x38;
	[tilespmem:$0x10200] =	vst v63  }
0x21: {  	_ =	swait.ge [sflag:s7], $0x10000  }
0x22: {  	[sflag:s7] =	ssyncset.done $0x0  }
0x23: {  	s10 =	simm.s32 $0x20;
	s11 =	simm.s32 $0x0;
	[sflag:s7] =	ssyncadd.s32 $0xFFFF0000  }
.LBB2_2:
0x24: {  	v6 =	vld [tilespmem:s10+$0xFFFFFFE0];
	_ =	sdelay $0x4  }
0x25: {  	v7 =	vshll.u32 v6, $0x3  }
0x26: {  	v6 =	vand.u32 $0x7F, v6;
	v7 =	vand.u32 $0xFFFFFC00, v7  }
0x27: {  	v6 =	vor.u32 v6, v7  }
0x28: {  	v6 =	vadd.s32 v0, v6;
	_ =	sdelay $0x4  }
0x29: {  	[tilespmem:v6+s8+$0x0] =	vst.idx.msk $0xffff, v1  }
0x2a: {  	v6 =	vld [tilespmem:s10+$0xFFFFFFF0];
	_ =	sdelay $0x4  }
0x2b: {  	v7 =	vshll.u32 v6, $0x3  }
0x2c: {  	v6 =	vand.u32 $0x7F, v6;
	v7 =	vand.u32 $0xFFFFFC00, v7  }
0x2d: {  	v6 =	vor.u32 v6, v7  }
0x2e: {  	v6 =	vadd.s32 v2, v6;
	_ =	sdelay $0x4  }
0x2f: {  	[tilespmem:v6+s8+$0x0] =	vst.idx.msk $0xffff, v1  }
0x30: {  	v6 =	vld [tilespmem:s10+$0x0];
	_ =	sdelay $0x4  }
0x31: {  	v7 =	vshll.u32 v6, $0x3  }
0x32: {  	v6 =	vand.u32 $0x7F, v6;
	v7 =	vand.u32 $0xFFFFFC00, v7  }
0x33: {  	v6 =	vor.u32 v6, v7  }
0x34: {  	v6 =	vadd.s32 v3, v6;
	_ =	sdelay $0x4  }
0x35: {  	[tilespmem:v6+s8+$0x0] =	vst.idx.msk $0xffff, v1  }
0x36: {  	v6 =	vld [tilespmem:s10+$0x10];
	_ =	sdelay $0x4  }
0x37: {  	v7 =	vshll.u32 v6, $0x3  }
0x38: {  	v6 =	vand.u32 $0x7F, v6;
	v7 =	vand.u32 $0xFFFFFC00, v7  }
0x39: {  	v6 =	vor.u32 v6, v7  }
0x3a: {  	v6 =	vadd.s32 v4, v6;
	_ =	sdelay $0x4  }
0x3b: {  	s12 =	sadd.s32 s11, s6;
	[tilespmem:v6+s8+$0x0] =	vst.idx.msk $0xffff, v1  }
0x3c: {  	[hbm4b:s12+s2] =	stream.linear.scatter [tilespmem:s8], [sflag:$0x1], $0x10000, $0x38;
	[tilespmem:$0x10200] =	vst v63  }
0x3d: {  	_ =	swait.ge [sflag:s7], $0x10000  }
0x3e: {  	[sflag:s7] =	ssyncset.done $0x0  }
0x3f: {  	[sflag:s7] =	ssyncadd.s32 $0xFFFF0000  }
0x40: {  	v6 =	vld [tilespmem:s10+$0xFFFFFFE0];
	_ =	sdelay $0x4  }
0x41: {  	v7 =	vshll.u32 v6, $0x3  }
0x42: {  	v6 =	vand.u32 $0x7F, v6;
	v7 =	vand.u32 $0xFFFFFC00, v7  }
0x43: {  	v6 =	vor.u32 v6, v7  }
0x44: {  	v6 =	vadd.s32 v0, v6;
	_ =	sdelay $0x4  }
0x45: {  	[tilespmem:v6+s8+$0x0] =	vst.idx.msk $0xffff, v5  }
0x46: {  	v6 =	vld [tilespmem:s10+$0xFFFFFFF0];
	_ =	sdelay $0x4  }
0x47: {  	v7 =	vshll.u32 v6, $0x3  }
0x48: {  	v6 =	vand.u32 $0x7F, v6;
	v7 =	vand.u32 $0xFFFFFC00, v7  }
0x49: {  	v6 =	vor.u32 v6, v7  }
0x4a: {  	v6 =	vadd.s32 v2, v6;
	_ =	sdelay $0x4  }
0x4b: {  	[tilespmem:v6+s8+$0x0] =	vst.idx.msk $0xffff, v5  }
0x4c: {  	v6 =	vld [tilespmem:s10+$0x0];
	_ =	sdelay $0x4  }
0x4d: {  	v7 =	vshll.u32 v6, $0x3  }
0x4e: {  	v6 =	vand.u32 $0x7F, v6;
	v7 =	vand.u32 $0xFFFFFC00, v7  }
0x4f: {  	v6 =	vor.u32 v6, v7  }
0x50: {  	v6 =	vadd.s32 v3, v6;
	_ =	sdelay $0x4  }
0x51: {  	[tilespmem:v6+s8+$0x0] =	vst.idx.msk $0xffff, v5  }
0x52: {  	v6 =	vld [tilespmem:s10+$0x10];
	_ =	sdelay $0x4  }
0x53: {  	v7 =	vshll.u32 v6, $0x3  }
0x54: {  	v6 =	vand.u32 $0x7F, v6;
	v7 =	vand.u32 $0xFFFFFC00, v7  }
0x55: {  	v6 =	vor.u32 v6, v7  }
0x56: {  	p0 =	sne.s32 s11, $0xE000;
	v6 =	vadd.s32 v4, v6  }
.Ltmp0:
0x57: {  	_ = 	snop;
	(pc) =	sbr.rel @p0 .LBB2_2-.Ltmp0, $2  }
0x58: {  	_ =	sdelay $0x2  }
0x59: {  	s11 =	sadd.s32 $0x2000, s11;
	s10 =	sadd.s32 $0x40, s10;
	[tilespmem:v6+s8+$0x0] =	vst.idx.msk $0xffff, v5  }
0x5a: {  	s9 =	sadd.s32 $0x1, s9  }
0x5b: {  	p0 =	sne.s32 s9, s5  }
.Ltmp1:
0x5c: {  	_ = 	snop;
	(pc) =	sbr.rel @p0 .LBB2_1-.Ltmp1, $1  }
0x5d: {  	_ =	sdelay $0x3  }
0x5e: {  	_ =	sfence.sel $0x180000  }
0x5f: {  	[bflag:$0x0] =	sbarrier.arrive $0xFFFF  }
0x60: {  	p0 =	sne.s32 s0, $0x0;
	_ =	strace $0x90000047  }
0x61: {  	s0 =	sadd.s32 @!p0 $0x100000, s1;
	[bflag:$0x2] =	sbarrier.arrive $0xFFFF  }
0x62: {  	[sflag:s0] =	ssyncadd.tile.s32 @!p0 $0x1;
	_ =	shalt  }
.Lfunc_end2:
_tile_overlayer_lowered:
.L_overlay_start_2:
0x63: {  	(tag) =	ssettag $0x2  }
0x64: {  	s0 =	rddreg [dreg:$0x0];
	s2 =	stileid.u32  }
0x65: {  	s1 =	rddreg [dreg:$0x1];
	p0 =	sne.s32 s2, $0x0  }
0x66: {  	s3 =	rddreg [dreg:$0x2];
	[bflag:$0x3] =	sbarrier.arrive $0xFFFF;
	s2 =	simm.s32 @!p0 $0x1C01  }
0x67: {  	[timem:s3], [sflag:s2] =	dma.local @!p0 [hbm:s0], s1  }
0x68: {  	s0 =	simm.s32 @!p0 $0x1  }
0x69: {  	_ =	swait.ge @!p0 [sflag:s0], s1  }
0x6a: {  	s1 =	ssub.s32 @!p0 $0x0, s1;
	[sflag:s0] =	ssyncset.done @!p0 $0x0  }
0x6b: {  	[sflag:s0] =	ssyncadd.s32 @!p0 s1  }
0x6c: {  	[bflag:$0x3] =	sbarrier.arrive $0xFFFF  }
0x6d: {  	_ =	shalt  }

</sc_bundles>
